<compile_context>
chip_gen: v7x
topology: tpu7x:2x2x1
jax: 0.10.2.dev20260603
libtpu: 0.0.44.dev20260713+nightly
codegen_flags: <defaults>
</compile_context>

<pallas_src>
import functools

import jax
import jax.numpy as jnp
from jax import lax
from jax.experimental import pallas as pl
from jax.experimental.pallas import tpu as pltpu
from jax.experimental.pallas import tpu_sc as plsc

B, S, D, H = 64, 1024, 96, 64
CHT = 256
NCH = S // CHT
ROWS_PER_TILE = 2


def _sc_copy_body(x_hbm, out_hbm, buf0, buf1, s0, s1):
    cid = lax.axis_index("c")
    sid = lax.axis_index("s")
    wid = sid * 2 + cid

    bufs = (buf0, buf1)
    sems = (s0, s1)
    n = ROWS_PER_TILE * NCH

    def src_dst(i):
        row = wid * ROWS_PER_TILE + i // NCH
        c0 = (i % NCH) * CHT
        return (x_hbm.at[row, pl.ds(c0, CHT), :],
                out_hbm.at[row, pl.ds(c0, CHT), :])

    sA, _ = src_dst(0)
    pltpu.async_copy(sA, bufs[0], sems[0])
    for i in range(n):
        b = i % 2
        sI, dI = src_dst(i)
        pltpu.make_async_copy(sI, bufs[b], sems[b]).wait()
        if i + 1 < n:
            sN, _ = src_dst(i + 1)
            pltpu.async_copy(sN, bufs[(i + 1) % 2], sems[(i + 1) % 2])
        pltpu.async_copy(bufs[b], dI, sems[b]).wait()


@jax.jit
def kernel(token_embeddings, W1, b1, W2, b2):
    mesh = plsc.VectorSubcoreMesh(core_axis_name="c", subcore_axis_name="s")
    k = functools.partial(
        pl.kernel,
        mesh=mesh,
        out_type=jax.ShapeDtypeStruct((B, S, D), jnp.float32),
        scratch_types=[
            pltpu.VMEM((CHT, D), jnp.float32),
            pltpu.VMEM((CHT, D), jnp.float32),
            pltpu.SemaphoreType.DMA,
            pltpu.SemaphoreType.DMA,
        ],
    )(_sc_copy_body)
    out = k(token_embeddings)
    return (out, jnp.zeros((B, S), jnp.float32),
            jnp.zeros((B,), jnp.float32))

# --- scband reference (transcript-rebuilt; emitter-appended) ---
"""Pipeline reference for scband-adaptive-token-filter-51445118271913 (READ-ONLY COPY).

The authoritative reference and input builder live on the scoring server;
editing this copy changes nothing except your own understanding.
"""

import jax, jax.numpy as jnp
import numpy as np

B, S, D, H = 64, 1024, 96, 64

def setup_inputs(seed: int = 0) -> dict:
    key = jax.random.key(seed)
    k1, k2, k3 = jax.random.split(key, 3)
    token_embeddings = jax.random.normal(k1, (B, S, D), dtype=jnp.float32)
    W1 = jax.random.normal(k2, (D, H), dtype=jnp.float32) * (1.0 / np.sqrt(D))
    b1 = jnp.zeros((H,), dtype=jnp.float32)
    W2 = jax.random.normal(k3, (H, 1), dtype=jnp.float32) * (1.0 / np.sqrt(H))
    b2 = jnp.zeros((1,), dtype=jnp.float32)
    return {"token_embeddings": token_embeddings, "W1": W1, "b1": b1, "W2": W2, "b2": b2}

def reference(token_embeddings, W1, b1, W2, b2):
    # AdaptiveTokenFilter forward with use_value_function=False (value_function is None),
    # rng=None so no Gumbel noise is added (perturbed_logits = logits).
    tau = 1.0
    x = token_embeddings
    # scorer: Dense(D->H) -> relu -> Dense(H->1), squeeze(-1)
    h = jax.nn.relu(jnp.einsum('bsd,dh->bsh', x, W1) + b1)
    importance_logits = (jnp.einsum('bsh,ho->bso', h, W2) + b2)[..., 0]  # [B, S]
    # expected_k = sigmoid(logits).sum(-1)
    expected_k = jax.nn.sigmoid(importance_logits).sum(axis=-1)  # [B]
    k = jnp.maximum(expected_k.astype(jnp.int32), 32)  # clip(min=32)
    # gumbel_softmax_topk with hard=True, rng=None
    soft_mask = jax.nn.softmax(importance_logits / tau, axis=-1)  # [B, S]
    # hard top-k per row: set top k[i] entries (by descending soft_mask) to 1.
    # rank of each position in descending order:
    ranks = jnp.argsort(jnp.argsort(-soft_mask, axis=-1), axis=-1)
    hard_mask = (ranks < k[:, None]).astype(soft_mask.dtype)
    selection_mask = jax.lax.stop_gradient(hard_mask - soft_mask) + soft_mask
    filtered_embeddings = x * selection_mask[..., None]
    return filtered_embeddings, selection_mask, expected_k

if __name__ == "__main__":
    import jax
    _d = setup_inputs()
    print(jax.jit(kernel)(*tuple(_d.values())))

</pallas_src>

<mosaic_0001>
#map = affine_map<(d0, d1) -> (0, 0, 0)>
module attributes {stable_mosaic.version = 14 : i64} {
  func.func @_sc_copy_body(%arg0: i32, %arg1: i32, %arg2: memref<64x1024x96xf32, #tpu.memory_space<hbm>>, %arg3: memref<64x1024x96xf32, #tpu.memory_space<hbm>>, %arg4: memref<256x96xf32, #tpu.memory_space<vmem>>, %arg5: memref<256x96xf32, #tpu.memory_space<vmem>>, %arg6: memref<!tpu.dma_semaphore, #tpu.memory_space<semaphore_mem>>, %arg7: memref<!tpu.dma_semaphore, #tpu.memory_space<semaphore_mem>>) attributes {dimension_semantics = [#tpu.dimension_semantics<core_parallel>, #tpu.dimension_semantics<subcore_parallel>], iteration_bounds = array<i64: 2, 16>, scalar_prefetch = 0 : i64, scratch_operands = 4 : i64, tpu.core_type = #tpu.core_type<sc_vector_subcore>, window_params = [{transform_indices = #map}, {transform_indices = #map}]} {
    %mul3A = arith.constant 2 : i32
    %mul3A_0 = arith.muli %arg1, %mul3A : i32
    %add3A = arith.addi %mul3A_0, %arg0 : i32
    %mul3A_1 = arith.constant 2 : i32
    %mul3A_2 = arith.muli %add3A, %mul3A_1 : i32
    %add3A_3 = arith.constant 0 : i32
    %add3A_4 = arith.addi %mul3A_2, %add3A_3 : i32
    %dma_start3A = arith.constant 0 : i32
    %dma_start3A_5 = arith.constant 0 : i32
    %dma_start3A_6 = tpu.memref_slice %arg2[%add3A_4, %dma_start3A, %dma_start3A_5] : memref<64x1024x96xf32, #tpu.memory_space<hbm>> -> memref<1x256x96xf32, #tpu.memory_space<hbm>>
    %dma_start3A_7 = tpu.memref_squeeze %dma_start3A_6 : memref<1x256x96xf32, #tpu.memory_space<hbm>> -> memref<256x96xf32, #tpu.memory_space<hbm>>
    %dma_start3A_8 = arith.constant 0 : i32
    %dma_start3A_9 = arith.constant 0 : i32
    %dma_start3A_10 = tpu.memref_slice %arg2[%add3A_4, %dma_start3A_8, %dma_start3A_9] : memref<64x1024x96xf32, #tpu.memory_space<hbm>> -> memref<1x256x96xf32, #tpu.memory_space<hbm>>
    %dma_start3A_11 = tpu.memref_squeeze %dma_start3A_10 : memref<1x256x96xf32, #tpu.memory_space<hbm>> -> memref<256x96xf32, #tpu.memory_space<hbm>>
    tpu.enqueue_dma source(%dma_start3A_11 : memref<256x96xf32, #tpu.memory_space<hbm>>) target(%arg4 : memref<256x96xf32, #tpu.memory_space<vmem>>) target_semaphore(%arg6 : memref<!tpu.dma_semaphore, #tpu.memory_space<semaphore_mem>>)
    %mul3A_12 = arith.constant 2 : i32
    %mul3A_13 = arith.muli %add3A, %mul3A_12 : i32
    %add3A_14 = arith.constant 0 : i32
    %add3A_15 = arith.addi %mul3A_13, %add3A_14 : i32
    %dma_wait3A = arith.constant 0 : i32
    %dma_wait3A_16 = arith.constant 0 : i32
    %dma_wait3A_17 = tpu.memref_slice %arg2[%add3A_15, %dma_wait3A, %dma_wait3A_16] : memref<64x1024x96xf32, #tpu.memory_space<hbm>> -> memref<1x256x96xf32, #tpu.memory_space<hbm>>
    %dma_wait3A_18 = tpu.memref_squeeze %dma_wait3A_17 : memref<1x256x96xf32, #tpu.memory_space<hbm>> -> memref<256x96xf32, #tpu.memory_space<hbm>>
    %dma_wait3A_19 = arith.constant 0 : i32
    %dma_wait3A_20 = arith.constant 0 : i32
    %dma_wait3A_21 = tpu.memref_slice %arg2[%add3A_15, %dma_wait3A_19, %dma_wait3A_20] : memref<64x1024x96xf32, #tpu.memory_space<hbm>> -> memref<1x256x96xf32, #tpu.memory_space<hbm>>
    %dma_wait3A_22 = tpu.memref_squeeze %dma_wait3A_21 : memref<1x256x96xf32, #tpu.memory_space<hbm>> -> memref<256x96xf32, #tpu.memory_space<hbm>>
    tpu.wait_dma2 semaphore(%arg6 : memref<!tpu.dma_semaphore, #tpu.memory_space<semaphore_mem>>) src(%dma_wait3A_22 : memref<256x96xf32, #tpu.memory_space<hbm>>) dst(%arg4 : memref<256x96xf32, #tpu.memory_space<vmem>>)
    %mul3A_23 = arith.constant 2 : i32
    %mul3A_24 = arith.muli %add3A, %mul3A_23 : i32
    %add3A_25 = arith.constant 0 : i32
    %add3A_26 = arith.addi %mul3A_24, %add3A_25 : i32
    %dma_start3A_27 = arith.constant 256 : i32
    %dma_start3A_28 = arith.constant 0 : i32
    %dma_start3A_29 = tpu.memref_slice %arg2[%add3A_26, %dma_start3A_27, %dma_start3A_28] : memref<64x1024x96xf32, #tpu.memory_space<hbm>> -> memref<1x256x96xf32, #tpu.memory_space<hbm>>
    %dma_start3A_30 = tpu.memref_squeeze %dma_start3A_29 : memref<1x256x96xf32, #tpu.memory_space<hbm>> -> memref<256x96xf32, #tpu.memory_space<hbm>>
    %dma_start3A_31 = arith.constant 256 : i32
    %dma_start3A_32 = arith.constant 0 : i32
    %dma_start3A_33 = tpu.memref_slice %arg2[%add3A_26, %dma_start3A_31, %dma_start3A_32] : memref<64x1024x96xf32, #tpu.memory_space<hbm>> -> memref<1x256x96xf32, #tpu.memory_space<hbm>>
    %dma_start3A_34 = tpu.memref_squeeze %dma_start3A_33 : memref<1x256x96xf32, #tpu.memory_space<hbm>> -> memref<256x96xf32, #tpu.memory_space<hbm>>
    tpu.enqueue_dma source(%dma_start3A_34 : memref<256x96xf32, #tpu.memory_space<hbm>>) target(%arg5 : memref<256x96xf32, #tpu.memory_space<vmem>>) target_semaphore(%arg7 : memref<!tpu.dma_semaphore, #tpu.memory_space<semaphore_mem>>)
    %dma_start3A_35 = arith.constant 0 : i32
    %dma_start3A_36 = arith.constant 0 : i32
    %dma_start3A_37 = tpu.memref_slice %arg3[%add3A_15, %dma_start3A_35, %dma_start3A_36] : memref<64x1024x96xf32, #tpu.memory_space<hbm>> -> memref<1x256x96xf32, #tpu.memory_space<hbm>>
    %dma_start3A_38 = tpu.memref_squeeze %dma_start3A_37 : memref<1x256x96xf32, #tpu.memory_space<hbm>> -> memref<256x96xf32, #tpu.memory_space<hbm>>
    %dma_start3A_39 = arith.constant 0 : i32
    %dma_start3A_40 = arith.constant 0 : i32
    %dma_start3A_41 = tpu.memref_slice %arg3[%add3A_15, %dma_start3A_39, %dma_start3A_40] : memref<64x1024x96xf32, #tpu.memory_space<hbm>> -> memref<1x256x96xf32, #tpu.memory_space<hbm>>
    %dma_start3A_42 = tpu.memref_squeeze %dma_start3A_41 : memref<1x256x96xf32, #tpu.memory_space<hbm>> -> memref<256x96xf32, #tpu.memory_space<hbm>>
    tpu.enqueue_dma source(%arg4 : memref<256x96xf32, #tpu.memory_space<vmem>>) target(%dma_start3A_42 : memref<256x96xf32, #tpu.memory_space<hbm>>) target_semaphore(%arg6 : memref<!tpu.dma_semaphore, #tpu.memory_space<semaphore_mem>>)
    %dma_wait3A_43 = arith.constant 0 : i32
    %dma_wait3A_44 = arith.constant 0 : i32
    %dma_wait3A_45 = tpu.memref_slice %arg3[%add3A_15, %dma_wait3A_43, %dma_wait3A_44] : memref<64x1024x96xf32, #tpu.memory_space<hbm>> -> memref<1x256x96xf32, #tpu.memory_space<hbm>>
    %dma_wait3A_46 = tpu.memref_squeeze %dma_wait3A_45 : memref<1x256x96xf32, #tpu.memory_space<hbm>> -> memref<256x96xf32, #tpu.memory_space<hbm>>
    %dma_wait3A_47 = arith.constant 0 : i32
    %dma_wait3A_48 = arith.constant 0 : i32
    %dma_wait3A_49 = tpu.memref_slice %arg3[%add3A_15, %dma_wait3A_47, %dma_wait3A_48] : memref<64x1024x96xf32, #tpu.memory_space<hbm>> -> memref<1x256x96xf32, #tpu.memory_space<hbm>>
    %dma_wait3A_50 = tpu.memref_squeeze %dma_wait3A_49 : memref<1x256x96xf32, #tpu.memory_space<hbm>> -> memref<256x96xf32, #tpu.memory_space<hbm>>
    tpu.wait_dma2 semaphore(%arg6 : memref<!tpu.dma_semaphore, #tpu.memory_space<semaphore_mem>>) src(%arg4 : memref<256x96xf32, #tpu.memory_space<vmem>>) dst(%dma_wait3A_50 : memref<256x96xf32, #tpu.memory_space<hbm>>)
    %mul3A_51 = arith.constant 2 : i32
    %mul3A_52 = arith.muli %add3A, %mul3A_51 : i32
    %add3A_53 = arith.constant 0 : i32
    %add3A_54 = arith.addi %mul3A_52, %add3A_53 : i32
    %dma_wait3A_55 = arith.constant 256 : i32
    %dma_wait3A_56 = arith.constant 0 : i32
    %dma_wait3A_57 = tpu.memref_slice %arg2[%add3A_54, %dma_wait3A_55, %dma_wait3A_56] : memref<64x1024x96xf32, #tpu.memory_space<hbm>> -> memref<1x256x96xf32, #tpu.memory_space<hbm>>
    %dma_wait3A_58 = tpu.memref_squeeze %dma_wait3A_57 : memref<1x256x96xf32, #tpu.memory_space<hbm>> -> memref<256x96xf32, #tpu.memory_space<hbm>>
    %dma_wait3A_59 = arith.constant 256 : i32
    %dma_wait3A_60 = arith.constant 0 : i32
    %dma_wait3A_61 = tpu.memref_slice %arg2[%add3A_54, %dma_wait3A_59, %dma_wait3A_60] : memref<64x1024x96xf32, #tpu.memory_space<hbm>> -> memref<1x256x96xf32, #tpu.memory_space<hbm>>
    %dma_wait3A_62 = tpu.memref_squeeze %dma_wait3A_61 : memref<1x256x96xf32, #tpu.memory_space<hbm>> -> memref<256x96xf32, #tpu.memory_space<hbm>>
    tpu.wait_dma2 semaphore(%arg7 : memref<!tpu.dma_semaphore, #tpu.memory_space<semaphore_mem>>) src(%dma_wait3A_62 : memref<256x96xf32, #tpu.memory_space<hbm>>) dst(%arg5 : memref<256x96xf32, #tpu.memory_space<vmem>>)
    %mul3A_63 = arith.constant 2 : i32
    %mul3A_64 = arith.muli %add3A, %mul3A_63 : i32
    %add3A_65 = arith.constant 0 : i32
    %add3A_66 = arith.addi %mul3A_64, %add3A_65 : i32
    %dma_start3A_67 = arith.constant 512 : i32
    %dma_start3A_68 = arith.constant 0 : i32
    %dma_start3A_69 = tpu.memref_slice %arg2[%add3A_66, %dma_start3A_67, %dma_start3A_68] : memref<64x1024x96xf32, #tpu.memory_space<hbm>> -> memref<1x256x96xf32, #tpu.memory_space<hbm>>
    %dma_start3A_70 = tpu.memref_squeeze %dma_start3A_69 : memref<1x256x96xf32, #tpu.memory_space<hbm>> -> memref<256x96xf32, #tpu.memory_space<hbm>>
    %dma_start3A_71 = arith.constant 512 : i32
    %dma_start3A_72 = arith.constant 0 : i32
    %dma_start3A_73 = tpu.memref_slice %arg2[%add3A_66, %dma_start3A_71, %dma_start3A_72] : memref<64x1024x96xf32, #tpu.memory_space<hbm>> -> memref<1x256x96xf32, #tpu.memory_space<hbm>>
    %dma_start3A_74 = tpu.memref_squeeze %dma_start3A_73 : memref<1x256x96xf32, #tpu.memory_space<hbm>> -> memref<256x96xf32, #tpu.memory_space<hbm>>
    tpu.enqueue_dma source(%dma_start3A_74 : memref<256x96xf32, #tpu.memory_space<hbm>>) target(%arg4 : memref<256x96xf32, #tpu.memory_space<vmem>>) target_semaphore(%arg6 : memref<!tpu.dma_semaphore, #tpu.memory_space<semaphore_mem>>)
    %dma_start3A_75 = arith.constant 256 : i32
    %dma_start3A_76 = arith.constant 0 : i32
    %dma_start3A_77 = tpu.memref_slice %arg3[%add3A_54, %dma_start3A_75, %dma_start3A_76] : memref<64x1024x96xf32, #tpu.memory_space<hbm>> -> memref<1x256x96xf32, #tpu.memory_space<hbm>>
    %dma_start3A_78 = tpu.memref_squeeze %dma_start3A_77 : memref<1x256x96xf32, #tpu.memory_space<hbm>> -> memref<256x96xf32, #tpu.memory_space<hbm>>
    %dma_start3A_79 = arith.constant 256 : i32
    %dma_start3A_80 = arith.constant 0 : i32
    %dma_start3A_81 = tpu.memref_slice %arg3[%add3A_54, %dma_start3A_79, %dma_start3A_80] : memref<64x1024x96xf32, #tpu.memory_space<hbm>> -> memref<1x256x96xf32, #tpu.memory_space<hbm>>
    %dma_start3A_82 = tpu.memref_squeeze %dma_start3A_81 : memref<1x256x96xf32, #tpu.memory_space<hbm>> -> memref<256x96xf32, #tpu.memory_space<hbm>>
    tpu.enqueue_dma source(%arg5 : memref<256x96xf32, #tpu.memory_space<vmem>>) target(%dma_start3A_82 : memref<256x96xf32, #tpu.memory_space<hbm>>) target_semaphore(%arg7 : memref<!tpu.dma_semaphore, #tpu.memory_space<semaphore_mem>>)
    %dma_wait3A_83 = arith.constant 256 : i32
    %dma_wait3A_84 = arith.constant 0 : i32
    %dma_wait3A_85 = tpu.memref_slice %arg3[%add3A_54, %dma_wait3A_83, %dma_wait3A_84] : memref<64x1024x96xf32, #tpu.memory_space<hbm>> -> memref<1x256x96xf32, #tpu.memory_space<hbm>>
    %dma_wait3A_86 = tpu.memref_squeeze %dma_wait3A_85 : memref<1x256x96xf32, #tpu.memory_space<hbm>> -> memref<256x96xf32, #tpu.memory_space<hbm>>
    %dma_wait3A_87 = arith.constant 256 : i32
    %dma_wait3A_88 = arith.constant 0 : i32
    %dma_wait3A_89 = tpu.memref_slice %arg3[%add3A_54, %dma_wait3A_87, %dma_wait3A_88] : memref<64x1024x96xf32, #tpu.memory_space<hbm>> -> memref<1x256x96xf32, #tpu.memory_space<hbm>>
    %dma_wait3A_90 = tpu.memref_squeeze %dma_wait3A_89 : memref<1x256x96xf32, #tpu.memory_space<hbm>> -> memref<256x96xf32, #tpu.memory_space<hbm>>
    tpu.wait_dma2 semaphore(%arg7 : memref<!tpu.dma_semaphore, #tpu.memory_space<semaphore_mem>>) src(%arg5 : memref<256x96xf32, #tpu.memory_space<vmem>>) dst(%dma_wait3A_90 : memref<256x96xf32, #tpu.memory_space<hbm>>)
    %mul3A_91 = arith.constant 2 : i32
    %mul3A_92 = arith.muli %add3A, %mul3A_91 : i32
    %add3A_93 = arith.constant 0 : i32
    %add3A_94 = arith.addi %mul3A_92, %add3A_93 : i32
    %dma_wait3A_95 = arith.constant 512 : i32
    %dma_wait3A_96 = arith.constant 0 : i32
    %dma_wait3A_97 = tpu.memref_slice %arg2[%add3A_94, %dma_wait3A_95, %dma_wait3A_96] : memref<64x1024x96xf32, #tpu.memory_space<hbm>> -> memref<1x256x96xf32, #tpu.memory_space<hbm>>
    %dma_wait3A_98 = tpu.memref_squeeze %dma_wait3A_97 : memref<1x256x96xf32, #tpu.memory_space<hbm>> -> memref<256x96xf32, #tpu.memory_space<hbm>>
    %dma_wait3A_99 = arith.constant 512 : i32
    %dma_wait3A_100 = arith.constant 0 : i32
    %dma_wait3A_101 = tpu.memref_slice %arg2[%add3A_94, %dma_wait3A_99, %dma_wait3A_100] : memref<64x1024x96xf32, #tpu.memory_space<hbm>> -> memref<1x256x96xf32, #tpu.memory_space<hbm>>
    %dma_wait3A_102 = tpu.memref_squeeze %dma_wait3A_101 : memref<1x256x96xf32, #tpu.memory_space<hbm>> -> memref<256x96xf32, #tpu.memory_space<hbm>>
    tpu.wait_dma2 semaphore(%arg6 : memref<!tpu.dma_semaphore, #tpu.memory_space<semaphore_mem>>) src(%dma_wait3A_102 : memref<256x96xf32, #tpu.memory_space<hbm>>) dst(%arg4 : memref<256x96xf32, #tpu.memory_space<vmem>>)
    %mul3A_103 = arith.constant 2 : i32
    %mul3A_104 = arith.muli %add3A, %mul3A_103 : i32
    %add3A_105 = arith.constant 0 : i32
    %add3A_106 = arith.addi %mul3A_104, %add3A_105 : i32
    %dma_start3A_107 = arith.constant 768 : i32
    %dma_start3A_108 = arith.constant 0 : i32
    %dma_start3A_109 = tpu.memref_slice %arg2[%add3A_106, %dma_start3A_107, %dma_start3A_108] : memref<64x1024x96xf32, #tpu.memory_space<hbm>> -> memref<1x256x96xf32, #tpu.memory_space<hbm>>
    %dma_start3A_110 = tpu.memref_squeeze %dma_start3A_109 : memref<1x256x96xf32, #tpu.memory_space<hbm>> -> memref<256x96xf32, #tpu.memory_space<hbm>>
    %dma_start3A_111 = arith.constant 768 : i32
    %dma_start3A_112 = arith.constant 0 : i32
    %dma_start3A_113 = tpu.memref_slice %arg2[%add3A_106, %dma_start3A_111, %dma_start3A_112] : memref<64x1024x96xf32, #tpu.memory_space<hbm>> -> memref<1x256x96xf32, #tpu.memory_space<hbm>>
    %dma_start3A_114 = tpu.memref_squeeze %dma_start3A_113 : memref<1x256x96xf32, #tpu.memory_space<hbm>> -> memref<256x96xf32, #tpu.memory_space<hbm>>
    tpu.enqueue_dma source(%dma_start3A_114 : memref<256x96xf32, #tpu.memory_space<hbm>>) target(%arg5 : memref<256x96xf32, #tpu.memory_space<vmem>>) target_semaphore(%arg7 : memref<!tpu.dma_semaphore, #tpu.memory_space<semaphore_mem>>)
    %dma_start3A_115 = arith.constant 512 : i32
    %dma_start3A_116 = arith.constant 0 : i32
    %dma_start3A_117 = tpu.memref_slice %arg3[%add3A_94, %dma_start3A_115, %dma_start3A_116] : memref<64x1024x96xf32, #tpu.memory_space<hbm>> -> memref<1x256x96xf32, #tpu.memory_space<hbm>>
    %dma_start3A_118 = tpu.memref_squeeze %dma_start3A_117 : memref<1x256x96xf32, #tpu.memory_space<hbm>> -> memref<256x96xf32, #tpu.memory_space<hbm>>
    %dma_start3A_119 = arith.constant 512 : i32
    %dma_start3A_120 = arith.constant 0 : i32
    %dma_start3A_121 = tpu.memref_slice %arg3[%add3A_94, %dma_start3A_119, %dma_start3A_120] : memref<64x1024x96xf32, #tpu.memory_space<hbm>> -> memref<1x256x96xf32, #tpu.memory_space<hbm>>
    %dma_start3A_122 = tpu.memref_squeeze %dma_start3A_121 : memref<1x256x96xf32, #tpu.memory_space<hbm>> -> memref<256x96xf32, #tpu.memory_space<hbm>>
    tpu.enqueue_dma source(%arg4 : memref<256x96xf32, #tpu.memory_space<vmem>>) target(%dma_start3A_122 : memref<256x96xf32, #tpu.memory_space<hbm>>) target_semaphore(%arg6 : memref<!tpu.dma_semaphore, #tpu.memory_space<semaphore_mem>>)
    %dma_wait3A_123 = arith.constant 512 : i32
    %dma_wait3A_124 = arith.constant 0 : i32
    %dma_wait3A_125 = tpu.memref_slice %arg3[%add3A_94, %dma_wait3A_123, %dma_wait3A_124] : memref<64x1024x96xf32, #tpu.memory_space<hbm>> -> memref<1x256x96xf32, #tpu.memory_space<hbm>>
    %dma_wait3A_126 = tpu.memref_squeeze %dma_wait3A_125 : memref<1x256x96xf32, #tpu.memory_space<hbm>> -> memref<256x96xf32, #tpu.memory_space<hbm>>
    %dma_wait3A_127 = arith.constant 512 : i32
    %dma_wait3A_128 = arith.constant 0 : i32
    %dma_wait3A_129 = tpu.memref_slice %arg3[%add3A_94, %dma_wait3A_127, %dma_wait3A_128] : memref<64x1024x96xf32, #tpu.memory_space<hbm>> -> memref<1x256x96xf32, #tpu.memory_space<hbm>>
    %dma_wait3A_130 = tpu.memref_squeeze %dma_wait3A_129 : memref<1x256x96xf32, #tpu.memory_space<hbm>> -> memref<256x96xf32, #tpu.memory_space<hbm>>
    tpu.wait_dma2 semaphore(%arg6 : memref<!tpu.dma_semaphore, #tpu.memory_space<semaphore_mem>>) src(%arg4 : memref<256x96xf32, #tpu.memory_space<vmem>>) dst(%dma_wait3A_130 : memref<256x96xf32, #tpu.memory_space<hbm>>)
    %mul3A_131 = arith.constant 2 : i32
    %mul3A_132 = arith.muli %add3A, %mul3A_131 : i32
    %add3A_133 = arith.constant 0 : i32
    %add3A_134 = arith.addi %mul3A_132, %add3A_133 : i32
    %dma_wait3A_135 = arith.constant 768 : i32
    %dma_wait3A_136 = arith.constant 0 : i32
    %dma_wait3A_137 = tpu.memref_slice %arg2[%add3A_134, %dma_wait3A_135, %dma_wait3A_136] : memref<64x1024x96xf32, #tpu.memory_space<hbm>> -> memref<1x256x96xf32, #tpu.memory_space<hbm>>
    %dma_wait3A_138 = tpu.memref_squeeze %dma_wait3A_137 : memref<1x256x96xf32, #tpu.memory_space<hbm>> -> memref<256x96xf32, #tpu.memory_space<hbm>>
    %dma_wait3A_139 = arith.constant 768 : i32
    %dma_wait3A_140 = arith.constant 0 : i32
    %dma_wait3A_141 = tpu.memref_slice %arg2[%add3A_134, %dma_wait3A_139, %dma_wait3A_140] : memref<64x1024x96xf32, #tpu.memory_space<hbm>> -> memref<1x256x96xf32, #tpu.memory_space<hbm>>
    %dma_wait3A_142 = tpu.memref_squeeze %dma_wait3A_141 : memref<1x256x96xf32, #tpu.memory_space<hbm>> -> memref<256x96xf32, #tpu.memory_space<hbm>>
    tpu.wait_dma2 semaphore(%arg7 : memref<!tpu.dma_semaphore, #tpu.memory_space<semaphore_mem>>) src(%dma_wait3A_142 : memref<256x96xf32, #tpu.memory_space<hbm>>) dst(%arg5 : memref<256x96xf32, #tpu.memory_space<vmem>>)
    %mul3A_143 = arith.constant 2 : i32
    %mul3A_144 = arith.muli %add3A, %mul3A_143 : i32
    %add3A_145 = arith.constant 1 : i32
    %add3A_146 = arith.addi %mul3A_144, %add3A_145 : i32
    %dma_start3A_147 = arith.constant 0 : i32
    %dma_start3A_148 = arith.constant 0 : i32
    %dma_start3A_149 = tpu.memref_slice %arg2[%add3A_146, %dma_start3A_147, %dma_start3A_148] : memref<64x1024x96xf32, #tpu.memory_space<hbm>> -> memref<1x256x96xf32, #tpu.memory_space<hbm>>
    %dma_start3A_150 = tpu.memref_squeeze %dma_start3A_149 : memref<1x256x96xf32, #tpu.memory_space<hbm>> -> memref<256x96xf32, #tpu.memory_space<hbm>>
    %dma_start3A_151 = arith.constant 0 : i32
    %dma_start3A_152 = arith.constant 0 : i32
    %dma_start3A_153 = tpu.memref_slice %arg2[%add3A_146, %dma_start3A_151, %dma_start3A_152] : memref<64x1024x96xf32, #tpu.memory_space<hbm>> -> memref<1x256x96xf32, #tpu.memory_space<hbm>>
    %dma_start3A_154 = tpu.memref_squeeze %dma_start3A_153 : memref<1x256x96xf32, #tpu.memory_space<hbm>> -> memref<256x96xf32, #tpu.memory_space<hbm>>
    tpu.enqueue_dma source(%dma_start3A_154 : memref<256x96xf32, #tpu.memory_space<hbm>>) target(%arg4 : memref<256x96xf32, #tpu.memory_space<vmem>>) target_semaphore(%arg6 : memref<!tpu.dma_semaphore, #tpu.memory_space<semaphore_mem>>)
    %dma_start3A_155 = arith.constant 768 : i32
    %dma_start3A_156 = arith.constant 0 : i32
    %dma_start3A_157 = tpu.memref_slice %arg3[%add3A_134, %dma_start3A_155, %dma_start3A_156] : memref<64x1024x96xf32, #tpu.memory_space<hbm>> -> memref<1x256x96xf32, #tpu.memory_space<hbm>>
    %dma_start3A_158 = tpu.memref_squeeze %dma_start3A_157 : memref<1x256x96xf32, #tpu.memory_space<hbm>> -> memref<256x96xf32, #tpu.memory_space<hbm>>
    %dma_start3A_159 = arith.constant 768 : i32
    %dma_start3A_160 = arith.constant 0 : i32
    %dma_start3A_161 = tpu.memref_slice %arg3[%add3A_134, %dma_start3A_159, %dma_start3A_160] : memref<64x1024x96xf32, #tpu.memory_space<hbm>> -> memref<1x256x96xf32, #tpu.memory_space<hbm>>
    %dma_start3A_162 = tpu.memref_squeeze %dma_start3A_161 : memref<1x256x96xf32, #tpu.memory_space<hbm>> -> memref<256x96xf32, #tpu.memory_space<hbm>>
    tpu.enqueue_dma source(%arg5 : memref<256x96xf32, #tpu.memory_space<vmem>>) target(%dma_start3A_162 : memref<256x96xf32, #tpu.memory_space<hbm>>) target_semaphore(%arg7 : memref<!tpu.dma_semaphore, #tpu.memory_space<semaphore_mem>>)
    %dma_wait3A_163 = arith.constant 768 : i32
    %dma_wait3A_164 = arith.constant 0 : i32
    %dma_wait3A_165 = tpu.memref_slice %arg3[%add3A_134, %dma_wait3A_163, %dma_wait3A_164] : memref<64x1024x96xf32, #tpu.memory_space<hbm>> -> memref<1x256x96xf32, #tpu.memory_space<hbm>>
    %dma_wait3A_166 = tpu.memref_squeeze %dma_wait3A_165 : memref<1x256x96xf32, #tpu.memory_space<hbm>> -> memref<256x96xf32, #tpu.memory_space<hbm>>
    %dma_wait3A_167 = arith.constant 768 : i32
    %dma_wait3A_168 = arith.constant 0 : i32
    %dma_wait3A_169 = tpu.memref_slice %arg3[%add3A_134, %dma_wait3A_167, %dma_wait3A_168] : memref<64x1024x96xf32, #tpu.memory_space<hbm>> -> memref<1x256x96xf32, #tpu.memory_space<hbm>>
    %dma_wait3A_170 = tpu.memref_squeeze %dma_wait3A_169 : memref<1x256x96xf32, #tpu.memory_space<hbm>> -> memref<256x96xf32, #tpu.memory_space<hbm>>
    tpu.wait_dma2 semaphore(%arg7 : memref<!tpu.dma_semaphore, #tpu.memory_space<semaphore_mem>>) src(%arg5 : memref<256x96xf32, #tpu.memory_space<vmem>>) dst(%dma_wait3A_170 : memref<256x96xf32, #tpu.memory_space<hbm>>)
    %mul3A_171 = arith.constant 2 : i32
    %mul3A_172 = arith.muli %add3A, %mul3A_171 : i32
    %add3A_173 = arith.constant 1 : i32
    %add3A_174 = arith.addi %mul3A_172, %add3A_173 : i32
    %dma_wait3A_175 = arith.constant 0 : i32
    %dma_wait3A_176 = arith.constant 0 : i32
    %dma_wait3A_177 = tpu.memref_slice %arg2[%add3A_174, %dma_wait3A_175, %dma_wait3A_176] : memref<64x1024x96xf32, #tpu.memory_space<hbm>> -> memref<1x256x96xf32, #tpu.memory_space<hbm>>
    %dma_wait3A_178 = tpu.memref_squeeze %dma_wait3A_177 : memref<1x256x96xf32, #tpu.memory_space<hbm>> -> memref<256x96xf32, #tpu.memory_space<hbm>>
    %dma_wait3A_179 = arith.constant 0 : i32
    %dma_wait3A_180 = arith.constant 0 : i32
    %dma_wait3A_181 = tpu.memref_slice %arg2[%add3A_174, %dma_wait3A_179, %dma_wait3A_180] : memref<64x1024x96xf32, #tpu.memory_space<hbm>> -> memref<1x256x96xf32, #tpu.memory_space<hbm>>
    %dma_wait3A_182 = tpu.memref_squeeze %dma_wait3A_181 : memref<1x256x96xf32, #tpu.memory_space<hbm>> -> memref<256x96xf32, #tpu.memory_space<hbm>>
    tpu.wait_dma2 semaphore(%arg6 : memref<!tpu.dma_semaphore, #tpu.memory_space<semaphore_mem>>) src(%dma_wait3A_182 : memref<256x96xf32, #tpu.memory_space<hbm>>) dst(%arg4 : memref<256x96xf32, #tpu.memory_space<vmem>>)
    %mul3A_183 = arith.constant 2 : i32
    %mul3A_184 = arith.muli %add3A, %mul3A_183 : i32
    %add3A_185 = arith.constant 1 : i32
    %add3A_186 = arith.addi %mul3A_184, %add3A_185 : i32
    %dma_start3A_187 = arith.constant 256 : i32
    %dma_start3A_188 = arith.constant 0 : i32
    %dma_start3A_189 = tpu.memref_slice %arg2[%add3A_186, %dma_start3A_187, %dma_start3A_188] : memref<64x1024x96xf32, #tpu.memory_space<hbm>> -> memref<1x256x96xf32, #tpu.memory_space<hbm>>
    %dma_start3A_190 = tpu.memref_squeeze %dma_start3A_189 : memref<1x256x96xf32, #tpu.memory_space<hbm>> -> memref<256x96xf32, #tpu.memory_space<hbm>>
    %dma_start3A_191 = arith.constant 256 : i32
    %dma_start3A_192 = arith.constant 0 : i32
    %dma_start3A_193 = tpu.memref_slice %arg2[%add3A_186, %dma_start3A_191, %dma_start3A_192] : memref<64x1024x96xf32, #tpu.memory_space<hbm>> -> memref<1x256x96xf32, #tpu.memory_space<hbm>>
    %dma_start3A_194 = tpu.memref_squeeze %dma_start3A_193 : memref<1x256x96xf32, #tpu.memory_space<hbm>> -> memref<256x96xf32, #tpu.memory_space<hbm>>
    tpu.enqueue_dma source(%dma_start3A_194 : memref<256x96xf32, #tpu.memory_space<hbm>>) target(%arg5 : memref<256x96xf32, #tpu.memory_space<vmem>>) target_semaphore(%arg7 : memref<!tpu.dma_semaphore, #tpu.memory_space<semaphore_mem>>)
    %dma_start3A_195 = arith.constant 0 : i32
    %dma_start3A_196 = arith.constant 0 : i32
    %dma_start3A_197 = tpu.memref_slice %arg3[%add3A_174, %dma_start3A_195, %dma_start3A_196] : memref<64x1024x96xf32, #tpu.memory_space<hbm>> -> memref<1x256x96xf32, #tpu.memory_space<hbm>>
    %dma_start3A_198 = tpu.memref_squeeze %dma_start3A_197 : memref<1x256x96xf32, #tpu.memory_space<hbm>> -> memref<256x96xf32, #tpu.memory_space<hbm>>
    %dma_start3A_199 = arith.constant 0 : i32
    %dma_start3A_200 = arith.constant 0 : i32
    %dma_start3A_201 = tpu.memref_slice %arg3[%add3A_174, %dma_start3A_199, %dma_start3A_200] : memref<64x1024x96xf32, #tpu.memory_space<hbm>> -> memref<1x256x96xf32, #tpu.memory_space<hbm>>
    %dma_start3A_202 = tpu.memref_squeeze %dma_start3A_201 : memref<1x256x96xf32, #tpu.memory_space<hbm>> -> memref<256x96xf32, #tpu.memory_space<hbm>>
    tpu.enqueue_dma source(%arg4 : memref<256x96xf32, #tpu.memory_space<vmem>>) target(%dma_start3A_202 : memref<256x96xf32, #tpu.memory_space<hbm>>) target_semaphore(%arg6 : memref<!tpu.dma_semaphore, #tpu.memory_space<semaphore_mem>>)
    %dma_wait3A_203 = arith.constant 0 : i32
    %dma_wait3A_204 = arith.constant 0 : i32
    %dma_wait3A_205 = tpu.memref_slice %arg3[%add3A_174, %dma_wait3A_203, %dma_wait3A_204] : memref<64x1024x96xf32, #tpu.memory_space<hbm>> -> memref<1x256x96xf32, #tpu.memory_space<hbm>>
    %dma_wait3A_206 = tpu.memref_squeeze %dma_wait3A_205 : memref<1x256x96xf32, #tpu.memory_space<hbm>> -> memref<256x96xf32, #tpu.memory_space<hbm>>
    %dma_wait3A_207 = arith.constant 0 : i32
    %dma_wait3A_208 = arith.constant 0 : i32
    %dma_wait3A_209 = tpu.memref_slice %arg3[%add3A_174, %dma_wait3A_207, %dma_wait3A_208] : memref<64x1024x96xf32, #tpu.memory_space<hbm>> -> memref<1x256x96xf32, #tpu.memory_space<hbm>>
    %dma_wait3A_210 = tpu.memref_squeeze %dma_wait3A_209 : memref<1x256x96xf32, #tpu.memory_space<hbm>> -> memref<256x96xf32, #tpu.memory_space<hbm>>
    tpu.wait_dma2 semaphore(%arg6 : memref<!tpu.dma_semaphore, #tpu.memory_space<semaphore_mem>>) src(%arg4 : memref<256x96xf32, #tpu.memory_space<vmem>>) dst(%dma_wait3A_210 : memref<256x96xf32, #tpu.memory_space<hbm>>)
    %mul3A_211 = arith.constant 2 : i32
    %mul3A_212 = arith.muli %add3A, %mul3A_211 : i32
    %add3A_213 = arith.constant 1 : i32
    %add3A_214 = arith.addi %mul3A_212, %add3A_213 : i32
    %dma_wait3A_215 = arith.constant 256 : i32
    %dma_wait3A_216 = arith.constant 0 : i32
    %dma_wait3A_217 = tpu.memref_slice %arg2[%add3A_214, %dma_wait3A_215, %dma_wait3A_216] : memref<64x1024x96xf32, #tpu.memory_space<hbm>> -> memref<1x256x96xf32, #tpu.memory_space<hbm>>
    %dma_wait3A_218 = tpu.memref_squeeze %dma_wait3A_217 : memref<1x256x96xf32, #tpu.memory_space<hbm>> -> memref<256x96xf32, #tpu.memory_space<hbm>>
    %dma_wait3A_219 = arith.constant 256 : i32
    %dma_wait3A_220 = arith.constant 0 : i32
    %dma_wait3A_221 = tpu.memref_slice %arg2[%add3A_214, %dma_wait3A_219, %dma_wait3A_220] : memref<64x1024x96xf32, #tpu.memory_space<hbm>> -> memref<1x256x96xf32, #tpu.memory_space<hbm>>
    %dma_wait3A_222 = tpu.memref_squeeze %dma_wait3A_221 : memref<1x256x96xf32, #tpu.memory_space<hbm>> -> memref<256x96xf32, #tpu.memory_space<hbm>>
    tpu.wait_dma2 semaphore(%arg7 : memref<!tpu.dma_semaphore, #tpu.memory_space<semaphore_mem>>) src(%dma_wait3A_222 : memref<256x96xf32, #tpu.memory_space<hbm>>) dst(%arg5 : memref<256x96xf32, #tpu.memory_space<vmem>>)
    %mul3A_223 = arith.constant 2 : i32
    %mul3A_224 = arith.muli %add3A, %mul3A_223 : i32
    %add3A_225 = arith.constant 1 : i32
    %add3A_226 = arith.addi %mul3A_224, %add3A_225 : i32
    %dma_start3A_227 = arith.constant 512 : i32
    %dma_start3A_228 = arith.constant 0 : i32
    %dma_start3A_229 = tpu.memref_slice %arg2[%add3A_226, %dma_start3A_227, %dma_start3A_228] : memref<64x1024x96xf32, #tpu.memory_space<hbm>> -> memref<1x256x96xf32, #tpu.memory_space<hbm>>
    %dma_start3A_230 = tpu.memref_squeeze %dma_start3A_229 : memref<1x256x96xf32, #tpu.memory_space<hbm>> -> memref<256x96xf32, #tpu.memory_space<hbm>>
    %dma_start3A_231 = arith.constant 512 : i32
    %dma_start3A_232 = arith.constant 0 : i32
    %dma_start3A_233 = tpu.memref_slice %arg2[%add3A_226, %dma_start3A_231, %dma_start3A_232] : memref<64x1024x96xf32, #tpu.memory_space<hbm>> -> memref<1x256x96xf32, #tpu.memory_space<hbm>>
    %dma_start3A_234 = tpu.memref_squeeze %dma_start3A_233 : memref<1x256x96xf32, #tpu.memory_space<hbm>> -> memref<256x96xf32, #tpu.memory_space<hbm>>
    tpu.enqueue_dma source(%dma_start3A_234 : memref<256x96xf32, #tpu.memory_space<hbm>>) target(%arg4 : memref<256x96xf32, #tpu.memory_space<vmem>>) target_semaphore(%arg6 : memref<!tpu.dma_semaphore, #tpu.memory_space<semaphore_mem>>)
    %dma_start3A_235 = arith.constant 256 : i32
    %dma_start3A_236 = arith.constant 0 : i32
    %dma_start3A_237 = tpu.memref_slice %arg3[%add3A_214, %dma_start3A_235, %dma_start3A_236] : memref<64x1024x96xf32, #tpu.memory_space<hbm>> -> memref<1x256x96xf32, #tpu.memory_space<hbm>>
    %dma_start3A_238 = tpu.memref_squeeze %dma_start3A_237 : memref<1x256x96xf32, #tpu.memory_space<hbm>> -> memref<256x96xf32, #tpu.memory_space<hbm>>
    %dma_start3A_239 = arith.constant 256 : i32
    %dma_start3A_240 = arith.constant 0 : i32
    %dma_start3A_241 = tpu.memref_slice %arg3[%add3A_214, %dma_start3A_239, %dma_start3A_240] : memref<64x1024x96xf32, #tpu.memory_space<hbm>> -> memref<1x256x96xf32, #tpu.memory_space<hbm>>
    %dma_start3A_242 = tpu.memref_squeeze %dma_start3A_241 : memref<1x256x96xf32, #tpu.memory_space<hbm>> -> memref<256x96xf32, #tpu.memory_space<hbm>>
    tpu.enqueue_dma source(%arg5 : memref<256x96xf32, #tpu.memory_space<vmem>>) target(%dma_start3A_242 : memref<256x96xf32, #tpu.memory_space<hbm>>) target_semaphore(%arg7 : memref<!tpu.dma_semaphore, #tpu.memory_space<semaphore_mem>>)
    %dma_wait3A_243 = arith.constant 256 : i32
    %dma_wait3A_244 = arith.constant 0 : i32
    %dma_wait3A_245 = tpu.memref_slice %arg3[%add3A_214, %dma_wait3A_243, %dma_wait3A_244] : memref<64x1024x96xf32, #tpu.memory_space<hbm>> -> memref<1x256x96xf32, #tpu.memory_space<hbm>>
    %dma_wait3A_246 = tpu.memref_squeeze %dma_wait3A_245 : memref<1x256x96xf32, #tpu.memory_space<hbm>> -> memref<256x96xf32, #tpu.memory_space<hbm>>
    %dma_wait3A_247 = arith.constant 256 : i32
    %dma_wait3A_248 = arith.constant 0 : i32
    %dma_wait3A_249 = tpu.memref_slice %arg3[%add3A_214, %dma_wait3A_247, %dma_wait3A_248] : memref<64x1024x96xf32, #tpu.memory_space<hbm>> -> memref<1x256x96xf32, #tpu.memory_space<hbm>>
    %dma_wait3A_250 = tpu.memref_squeeze %dma_wait3A_249 : memref<1x256x96xf32, #tpu.memory_space<hbm>> -> memref<256x96xf32, #tpu.memory_space<hbm>>
    tpu.wait_dma2 semaphore(%arg7 : memref<!tpu.dma_semaphore, #tpu.memory_space<semaphore_mem>>) src(%arg5 : memref<256x96xf32, #tpu.memory_space<vmem>>) dst(%dma_wait3A_250 : memref<256x96xf32, #tpu.memory_space<hbm>>)
    %mul3A_251 = arith.constant 2 : i32
    %mul3A_252 = arith.muli %add3A, %mul3A_251 : i32
    %add3A_253 = arith.constant 1 : i32
    %add3A_254 = arith.addi %mul3A_252, %add3A_253 : i32
    %dma_wait3A_255 = arith.constant 512 : i32
    %dma_wait3A_256 = arith.constant 0 : i32
    %dma_wait3A_257 = tpu.memref_slice %arg2[%add3A_254, %dma_wait3A_255, %dma_wait3A_256] : memref<64x1024x96xf32, #tpu.memory_space<hbm>> -> memref<1x256x96xf32, #tpu.memory_space<hbm>>
    %dma_wait3A_258 = tpu.memref_squeeze %dma_wait3A_257 : memref<1x256x96xf32, #tpu.memory_space<hbm>> -> memref<256x96xf32, #tpu.memory_space<hbm>>
    %dma_wait3A_259 = arith.constant 512 : i32
    %dma_wait3A_260 = arith.constant 0 : i32
    %dma_wait3A_261 = tpu.memref_slice %arg2[%add3A_254, %dma_wait3A_259, %dma_wait3A_260] : memref<64x1024x96xf32, #tpu.memory_space<hbm>> -> memref<1x256x96xf32, #tpu.memory_space<hbm>>
    %dma_wait3A_262 = tpu.memref_squeeze %dma_wait3A_261 : memref<1x256x96xf32, #tpu.memory_space<hbm>> -> memref<256x96xf32, #tpu.memory_space<hbm>>
    tpu.wait_dma2 semaphore(%arg6 : memref<!tpu.dma_semaphore, #tpu.memory_space<semaphore_mem>>) src(%dma_wait3A_262 : memref<256x96xf32, #tpu.memory_space<hbm>>) dst(%arg4 : memref<256x96xf32, #tpu.memory_space<vmem>>)
    %mul3A_263 = arith.constant 2 : i32
    %mul3A_264 = arith.muli %add3A, %mul3A_263 : i32
    %add3A_265 = arith.constant 1 : i32
    %add3A_266 = arith.addi %mul3A_264, %add3A_265 : i32
    %dma_start3A_267 = arith.constant 768 : i32
    %dma_start3A_268 = arith.constant 0 : i32
    %dma_start3A_269 = tpu.memref_slice %arg2[%add3A_266, %dma_start3A_267, %dma_start3A_268] : memref<64x1024x96xf32, #tpu.memory_space<hbm>> -> memref<1x256x96xf32, #tpu.memory_space<hbm>>
    %dma_start3A_270 = tpu.memref_squeeze %dma_start3A_269 : memref<1x256x96xf32, #tpu.memory_space<hbm>> -> memref<256x96xf32, #tpu.memory_space<hbm>>
    %dma_start3A_271 = arith.constant 768 : i32
    %dma_start3A_272 = arith.constant 0 : i32
    %dma_start3A_273 = tpu.memref_slice %arg2[%add3A_266, %dma_start3A_271, %dma_start3A_272] : memref<64x1024x96xf32, #tpu.memory_space<hbm>> -> memref<1x256x96xf32, #tpu.memory_space<hbm>>
    %dma_start3A_274 = tpu.memref_squeeze %dma_start3A_273 : memref<1x256x96xf32, #tpu.memory_space<hbm>> -> memref<256x96xf32, #tpu.memory_space<hbm>>
    tpu.enqueue_dma source(%dma_start3A_274 : memref<256x96xf32, #tpu.memory_space<hbm>>) target(%arg5 : memref<256x96xf32, #tpu.memory_space<vmem>>) target_semaphore(%arg7 : memref<!tpu.dma_semaphore, #tpu.memory_space<semaphore_mem>>)
    %dma_start3A_275 = arith.constant 512 : i32
    %dma_start3A_276 = arith.constant 0 : i32
    %dma_start3A_277 = tpu.memref_slice %arg3[%add3A_254, %dma_start3A_275, %dma_start3A_276] : memref<64x1024x96xf32, #tpu.memory_space<hbm>> -> memref<1x256x96xf32, #tpu.memory_space<hbm>>
    %dma_start3A_278 = tpu.memref_squeeze %dma_start3A_277 : memref<1x256x96xf32, #tpu.memory_space<hbm>> -> memref<256x96xf32, #tpu.memory_space<hbm>>
    %dma_start3A_279 = arith.constant 512 : i32
    %dma_start3A_280 = arith.constant 0 : i32
    %dma_start3A_281 = tpu.memref_slice %arg3[%add3A_254, %dma_start3A_279, %dma_start3A_280] : memref<64x1024x96xf32, #tpu.memory_space<hbm>> -> memref<1x256x96xf32, #tpu.memory_space<hbm>>
    %dma_start3A_282 = tpu.memref_squeeze %dma_start3A_281 : memref<1x256x96xf32, #tpu.memory_space<hbm>> -> memref<256x96xf32, #tpu.memory_space<hbm>>
    tpu.enqueue_dma source(%arg4 : memref<256x96xf32, #tpu.memory_space<vmem>>) target(%dma_start3A_282 : memref<256x96xf32, #tpu.memory_space<hbm>>) target_semaphore(%arg6 : memref<!tpu.dma_semaphore, #tpu.memory_space<semaphore_mem>>)
    %dma_wait3A_283 = arith.constant 512 : i32
    %dma_wait3A_284 = arith.constant 0 : i32
    %dma_wait3A_285 = tpu.memref_slice %arg3[%add3A_254, %dma_wait3A_283, %dma_wait3A_284] : memref<64x1024x96xf32, #tpu.memory_space<hbm>> -> memref<1x256x96xf32, #tpu.memory_space<hbm>>
    %dma_wait3A_286 = tpu.memref_squeeze %dma_wait3A_285 : memref<1x256x96xf32, #tpu.memory_space<hbm>> -> memref<256x96xf32, #tpu.memory_space<hbm>>
    %dma_wait3A_287 = arith.constant 512 : i32
    %dma_wait3A_288 = arith.constant 0 : i32
    %dma_wait3A_289 = tpu.memref_slice %arg3[%add3A_254, %dma_wait3A_287, %dma_wait3A_288] : memref<64x1024x96xf32, #tpu.memory_space<hbm>> -> memref<1x256x96xf32, #tpu.memory_space<hbm>>
    %dma_wait3A_290 = tpu.memref_squeeze %dma_wait3A_289 : memref<1x256x96xf32, #tpu.memory_space<hbm>> -> memref<256x96xf32, #tpu.memory_space<hbm>>
    tpu.wait_dma2 semaphore(%arg6 : memref<!tpu.dma_semaphore, #tpu.memory_space<semaphore_mem>>) src(%arg4 : memref<256x96xf32, #tpu.memory_space<vmem>>) dst(%dma_wait3A_290 : memref<256x96xf32, #tpu.memory_space<hbm>>)
    %mul3A_291 = arith.constant 2 : i32
    %mul3A_292 = arith.muli %add3A, %mul3A_291 : i32
    %add3A_293 = arith.constant 1 : i32
    %add3A_294 = arith.addi %mul3A_292, %add3A_293 : i32
    %dma_wait3A_295 = arith.constant 768 : i32
    %dma_wait3A_296 = arith.constant 0 : i32
    %dma_wait3A_297 = tpu.memref_slice %arg2[%add3A_294, %dma_wait3A_295, %dma_wait3A_296] : memref<64x1024x96xf32, #tpu.memory_space<hbm>> -> memref<1x256x96xf32, #tpu.memory_space<hbm>>
    %dma_wait3A_298 = tpu.memref_squeeze %dma_wait3A_297 : memref<1x256x96xf32, #tpu.memory_space<hbm>> -> memref<256x96xf32, #tpu.memory_space<hbm>>
    %dma_wait3A_299 = arith.constant 768 : i32
    %dma_wait3A_300 = arith.constant 0 : i32
    %dma_wait3A_301 = tpu.memref_slice %arg2[%add3A_294, %dma_wait3A_299, %dma_wait3A_300] : memref<64x1024x96xf32, #tpu.memory_space<hbm>> -> memref<1x256x96xf32, #tpu.memory_space<hbm>>
    %dma_wait3A_302 = tpu.memref_squeeze %dma_wait3A_301 : memref<1x256x96xf32, #tpu.memory_space<hbm>> -> memref<256x96xf32, #tpu.memory_space<hbm>>
    tpu.wait_dma2 semaphore(%arg7 : memref<!tpu.dma_semaphore, #tpu.memory_space<semaphore_mem>>) src(%dma_wait3A_302 : memref<256x96xf32, #tpu.memory_space<hbm>>) dst(%arg5 : memref<256x96xf32, #tpu.memory_space<vmem>>)
    %dma_start3A_303 = arith.constant 768 : i32
    %dma_start3A_304 = arith.constant 0 : i32
    %dma_start3A_305 = tpu.memref_slice %arg3[%add3A_294, %dma_start3A_303, %dma_start3A_304] : memref<64x1024x96xf32, #tpu.memory_space<hbm>> -> memref<1x256x96xf32, #tpu.memory_space<hbm>>
    %dma_start3A_306 = tpu.memref_squeeze %dma_start3A_305 : memref<1x256x96xf32, #tpu.memory_space<hbm>> -> memref<256x96xf32, #tpu.memory_space<hbm>>
    %dma_start3A_307 = arith.constant 768 : i32
    %dma_start3A_308 = arith.constant 0 : i32
    %dma_start3A_309 = tpu.memref_slice %arg3[%add3A_294, %dma_start3A_307, %dma_start3A_308] : memref<64x1024x96xf32, #tpu.memory_space<hbm>> -> memref<1x256x96xf32, #tpu.memory_space<hbm>>
    %dma_start3A_310 = tpu.memref_squeeze %dma_start3A_309 : memref<1x256x96xf32, #tpu.memory_space<hbm>> -> memref<256x96xf32, #tpu.memory_space<hbm>>
    tpu.enqueue_dma source(%arg5 : memref<256x96xf32, #tpu.memory_space<vmem>>) target(%dma_start3A_310 : memref<256x96xf32, #tpu.memory_space<hbm>>) target_semaphore(%arg7 : memref<!tpu.dma_semaphore, #tpu.memory_space<semaphore_mem>>)
    %dma_wait3A_311 = arith.constant 768 : i32
    %dma_wait3A_312 = arith.constant 0 : i32
    %dma_wait3A_313 = tpu.memref_slice %arg3[%add3A_294, %dma_wait3A_311, %dma_wait3A_312] : memref<64x1024x96xf32, #tpu.memory_space<hbm>> -> memref<1x256x96xf32, #tpu.memory_space<hbm>>
    %dma_wait3A_314 = tpu.memref_squeeze %dma_wait3A_313 : memref<1x256x96xf32, #tpu.memory_space<hbm>> -> memref<256x96xf32, #tpu.memory_space<hbm>>
    %dma_wait3A_315 = arith.constant 768 : i32
    %dma_wait3A_316 = arith.constant 0 : i32
    %dma_wait3A_317 = tpu.memref_slice %arg3[%add3A_294, %dma_wait3A_315, %dma_wait3A_316] : memref<64x1024x96xf32, #tpu.memory_space<hbm>> -> memref<1x256x96xf32, #tpu.memory_space<hbm>>
    %dma_wait3A_318 = tpu.memref_squeeze %dma_wait3A_317 : memref<1x256x96xf32, #tpu.memory_space<hbm>> -> memref<256x96xf32, #tpu.memory_space<hbm>>
    tpu.wait_dma2 semaphore(%arg7 : memref<!tpu.dma_semaphore, #tpu.memory_space<semaphore_mem>>) src(%arg5 : memref<256x96xf32, #tpu.memory_space<vmem>>) dst(%dma_wait3A_318 : memref<256x96xf32, #tpu.memory_space<hbm>>)
    return
  }
}

</mosaic_0001>

<sc_bundles>
// kernel: kernel.3.cloned.1.call-start
scs
__scs_entry_jumppad:
0x0: {  	(pc) =	sbr.rel $0x88, $3  }
0x1: {  	(tag) =	ssettag $0x0;
	lr =	simm.s32 $0x1  }
0x2: {  	[smem:$0x3FA0] =	sst lr;
	_ =	strace $0xD0000000  }
0x3: {  	_ = 	snop  }
0x4: {  	_ = 	snop  }
0x5: {  	_ = 	snop  }
0x6: {  	_ = 	snop  }
0x7: {  	_ = 	snop  }
__scs_overlays_trampoline_lowered:
0x8: {  	[smem:$0x3FAF] =	sst s0  }
0x9: {  	[smem:$0x3FB0] =	sst s1  }
0xa: {  	[smem:$0x3FB1] =	sst s2  }
0xb: {  	[smem:$0x3FB2] =	sst s3  }
0xc: {  	[smem:$0x3FB3] =	sst s4  }
0xd: {  	[smem:$0x3FB4] =	sst s5  }
0xe: {  	[smem:$0x3FB5] =	sst s6  }
0xf: {  	[smem:$0x3FB6] =	sst s7  }
0x10: {  	[smem:$0x3FB7] =	sst s8  }
0x11: {  	[smem:$0x3FB8] =	sst s9;
	s0 =	simm.s32 @!p0 $0x0  }
0x12: {  	s1 =	sld [smem:$0x3F9E];
	s0 =	simm.s32 @p0 $0x1  }
0x13: {  	[smem:$0x3FB9] =	sst s0;
	s0 =	simm.s32 @!p1 $0x0  }
0x14: {  	s2 =	sld [smem:$0x3F9D];
	s0 =	simm.s32 @p1 $0x1  }
0x15: {  	[smem:$0x3FBA] =	sst s0;
	s0 =	simm.s32 @!p2 $0x0  }
0x16: {  	s3 =	sld [smem:$0x3FDB];
	s0 =	simm.s32 @p2 $0x1  }
0x17: {  	s4 =	simm.s32 $0x1BF5;
	[smem:$0x3FBC] =	sst s0  }
0x18: {  	s0 =	sld [smem:$0x3F9F];
	_ =	swait.ge [sflag:s4], $0x0  }
0x19: {  	s7 =	sld [smem:$0x3FA0]  }
0x1a: {  	s8 =	sadd.s32 $0xFFFFE003, lr  }
0x1b: {  	s9 =	sadd.s32 $0xFFFFFEF7, lr;
	s5 =	simm.s32 $0xFFFFFFFF;
	p2 =	slt.u32 s8, $0xFFFFF086  }
0x1c: {  	p1 =	slt.u32 s9, $0xF7A;
	s5 =	simm.s32 @!p2 $0x0  }
0x1d: {  	s5 =	simm.s32 @p1 $0x1;
	p0 =	seq.s32 s7, s2  }
0x1e: {  	s7 =	smul.u32 @!p0 $0xF7A, s2;
	p2 =	seq.s32 @!p0 s5, $0x0  }
0x1f: {  	s9 =	smul.u32 $0xF7A, s1;
	s8 =	simm.s32 @!p0 $0x1BF5;
	p2 =	por !p2, p0  }
0x20: {  	[sflag:s8] =	ssyncset.s32 @!p0 $0xFFFFF086;
	s6 =	sadd.s32 @!p0 s3, s7;
	s7 =	simm.s32 @!p0 $0x108  }
0x21: {  	s3 =	sadd.s32 s3, s9;
	s6 =	sadd.s32 @!p0 $0x88, s6;
	s7 =	simm.s32 @p2 $0x1082  }
0x22: {  	[simem:s7], [sflag:s8] =	dma.local @!p0 [hbm:s6], $0xF7A  }
0x23: {  	s9 =	sor.u32 $0xD0000000, s2;
	s6 =	simm.s32 $0x108;
	_ =	swait.ge @!p0 [sflag:s8], $0x0  }
0x24: {  	s3 =	sadd.s32 $0x88, s3;
	s6 =	simm.s32 @!p1 $0x1082;
	[sflag:s4] =	ssyncset.s32 $0xFFFFF086  }
0x25: {  	[simem:s6], [sflag:s4] =	dma.local [hbm:s3], $0xF7A  }
0x26: {  	[smem:$0x3FA0] =	sst s1;
	(tag) =	ssettag s2;
	_ =	strace s9  }
0x27: {  	s1 =	sld [smem:$0x3FB0]  }
0x28: {  	s2 =	sld [smem:$0x3FB1]  }
0x29: {  	s4 =	sld [smem:$0x3FB3]  }
0x2a: {  	p0 =	seq.s32 s5, $0x0;
	s5 =	sld [smem:$0x3FB4]  }
0x2b: {  	s6 =	sld [smem:$0x3FB5]  }
0x2c: {  	s7 =	sld [smem:$0x3FB6]  }
0x2d: {  	s3 =	simm.s32 $0x108;
	s8 =	sld [smem:$0x3FB7]  }
0x2e: {  	s3 =	simm.s32 @!p0 $0x1082;
	s9 =	sld [smem:$0x3FB8]  }
0x2f: {  	lr =	sadd.s32 s0, s3;
	s0 =	sld [smem:$0x3FAF]  }
0x30: {  	s3 =	sld [smem:$0x3FB2]  }
0x31: {  	[smem:$0x3FBB] =	sst s10  }
0x32: {  	s10 =	sld [smem:$0x3FB9];
	_ =	sdelay $0x3  }
0x33: {  	p0 =	seq.s32 s10, $0x1;
	s10 =	sld [smem:$0x3FBB];
	_ =	sdelay $0x3  }
0x34: {  	[smem:$0x3FBB] =	sst s10  }
0x35: {  	s10 =	sld [smem:$0x3FBA];
	_ =	sdelay $0x3  }
0x36: {  	p1 =	seq.s32 s10, $0x1;
	s10 =	sld [smem:$0x3FBB];
	_ =	sdelay $0x3  }
0x37: {  	[smem:$0x3FBB] =	sst s10  }
0x38: {  	s10 =	sld [smem:$0x3FBC]  }
0x39: {  	_ = 	snop;
	(pc) =	sbr.ind lr, $3  }
0x3a: {  	_ = 	snop  }
0x3b: {  	_ = 	snop  }
0x3c: {  	p2 =	seq.s32 s10, $0x1;
	s10 =	sld [smem:$0x3FBB]  }
0x3d: {  	_ =	shalt  }
0x3e: {  	_ =	shalt  }
0x3f: {  	_ =	shalt  }
0x40: {  	_ =	shalt  }
0x41: {  	_ =	shalt  }
0x42: {  	_ =	shalt  }
0x43: {  	_ =	shalt  }
0x44: {  	_ =	shalt  }
0x45: {  	_ =	shalt  }
0x46: {  	_ =	shalt  }
0x47: {  	_ =	shalt  }
0x48: {  	_ =	shalt  }
0x49: {  	_ =	shalt  }
0x4a: {  	_ =	shalt  }
0x4b: {  	_ =	shalt  }
0x4c: {  	_ =	shalt  }
0x4d: {  	_ =	shalt  }
0x4e: {  	_ =	shalt  }
0x4f: {  	_ =	shalt  }
0x50: {  	_ =	shalt  }
0x51: {  	_ =	shalt  }
0x52: {  	_ =	shalt  }
0x53: {  	_ =	shalt  }
0x54: {  	_ =	shalt  }
0x55: {  	_ =	shalt  }
0x56: {  	_ =	shalt  }
0x57: {  	_ =	shalt  }
0x58: {  	_ =	shalt  }
0x59: {  	_ =	shalt  }
0x5a: {  	_ =	shalt  }
0x5b: {  	_ =	shalt  }
0x5c: {  	_ =	shalt  }
0x5d: {  	_ =	shalt  }
0x5e: {  	_ =	shalt  }
0x5f: {  	_ =	shalt  }
0x60: {  	_ =	shalt  }
0x61: {  	_ =	shalt  }
0x62: {  	_ =	shalt  }
0x63: {  	_ =	shalt  }
0x64: {  	_ =	shalt  }
0x65: {  	_ =	shalt  }
0x66: {  	_ =	shalt  }
0x67: {  	_ =	shalt  }
0x68: {  	_ =	shalt  }
0x69: {  	_ =	shalt  }
0x6a: {  	_ =	shalt  }
0x6b: {  	_ =	shalt  }
0x6c: {  	_ =	shalt  }
0x6d: {  	_ =	shalt  }
0x6e: {  	_ =	shalt  }
0x6f: {  	_ =	shalt  }
0x70: {  	_ =	shalt  }
0x71: {  	_ =	shalt  }
0x72: {  	_ =	shalt  }
0x73: {  	_ =	shalt  }
0x74: {  	_ =	shalt  }
0x75: {  	_ =	shalt  }
0x76: {  	_ =	shalt  }
0x77: {  	_ =	shalt  }
0x78: {  	_ =	shalt  }
0x79: {  	_ =	shalt  }
0x7a: {  	_ =	shalt  }
0x7b: {  	_ =	shalt  }
0x7c: {  	_ =	shalt  }
0x7d: {  	_ =	shalt  }
0x7e: {  	_ =	shalt  }
0x7f: {  	_ =	shalt  }
0x80: {  	_ =	shalt  }
0x81: {  	_ =	shalt  }
0x82: {  	_ =	shalt  }
0x83: {  	_ =	shalt  }
0x84: {  	_ =	shalt  }
0x85: {  	_ =	shalt  }
0x86: {  	_ =	shalt  }
0x87: {  	_ =	shalt  }
.Lfunc_end0:
.L_simem_size_0:
called_computation_lowered:
.L_overlay_start_0:
0x88: {  	s2 =	sld [smem:$0x3FD9]  }
0x89: {  	s3 =	sld [smem:$0x3FFE];
	_ =	sdelay $0x1  }
0x8a: {  	s1 =	srdreg.scid  }
0x8b: {  	s0 =	sand.u32 $0x1, s1  }
0x8c: {  	s16 =	sshll.u32 s0, $0xA;
	s2 =	sadd.s32 s3, s2  }
0x8d: {  	s2 =	sadd.s32 s2, s16  }
0x8e: {  	[smem:$0x3FC7] =	sst s2  }
0x8f: {  	_ = 	snop  }
0x90: {  	(tm) =	ssettm $0x1  }
0x91: {  	s17 =	sld [smem:$0x3FFB];
	_ =	sdelay $0x3  }
0x92: {  	_ =	strace s17  }
0x93: {  	s2 =	sld [smem:$0x3FFC];
	_ =	sdelay $0x3  }
0x94: {  	_ =	strace s2  }
0x95: {  	s2 =	sld [smem:$0x3FFD];
	_ =	sdelay $0x3  }
0x96: {  	_ =	strace s2  }
0x97: {  	_ =	strace $0x8FFFFFFF  }
0x98: {  	s18 =	sld [smem:$0x3FDB];
	_ =	sdelay $0x1  }
0x99: {  	s19 =	simm.s32 $_scs_section_size  }
0x9a: {  	s4 =	simm.s32 $_size__tile_overlayer_lowered;
	s5 =	simm.s32 $_tile_overlayer_lowered  }
0x9b: {  	s22 =	simm.s32 $0x1BFF;
	s21 =	sshll.u32 s5, $0x1;
	s2 =	sadd.s32 s19, s18  }
0x9c: {  	s6 =	simm.s32 $0x0;
	s20 =	sshll.u32 s4, $0x1;
	s4 =	sadd.s32 s21, s2  }
0x9d: {  	[timem:s6], [sflag:s22] =	dma.local [hbm:s4], s20  }
0x9e: {  	_ =	swait.ge [sflag:s22], s20  }
0x9f: {  	s3 =	ssub.s32 $0x0, s20;
	[sflag:s22] =	ssyncset.done $0x0  }
0xa0: {  	[sflag:s22] =	ssyncadd.s32 s3;
	_ =	sdelay $0x1  }
0xa1: {  	s23 =	simm.s32 $0x1B8B  }
0xa2: {  	_ =	swait.ge [sflag:s23], $0x1  }
0xa3: {  	[sflag:s23] =	ssyncset.done $0x0  }
0xa4: {  	s25 =	simm.s32 $0x1B8E;
	s24 =	sld [smem:$0x3FFE];
	[sflag:s23] =	ssyncadd.s32 $0xFFFFFFFF  }
0xa5: {  	s26 =	simm.s32 $execute0_lowered;
	[smem:$0x3FD2] =	sst s25  }
0xa6: {  	s4 =	sshll.u32 s26, $0x1;
	_ =	strace $0x80000046;
	[dreg:$0x1] =	wrdreg $0xFFFFFFFF  }
0xa7: {  	s28 =	simm.s32 $_size_execute0_lowered;
	s2 =	sadd.s32 s2, s4;
	[dreg:$0x0] =	wrdreg $0x0  }
0xa8: {  	s4 =	sshll.u32 s28, $0x1;
	[dreg:$0x2] =	wrdreg s2  }
0xa9: {  	[dreg:$0x3] =	wrdreg s4  }
0xaa: {  	[dreg:$0x4] =	wrdreg $0xC0  }
0xab: {  	_ =	task [dreg:s6], $0x5FFFF  }
0xac: {  	[dreg:$0x1] =	wrdreg $0xFFFFFFFF  }
0xad: {  	[dreg:$0x0] =	wrdreg $0x60  }
0xae: {  	[dreg:$0x2] =	wrdreg s24  }
0xaf: {  	[dreg:$0x3] =	wrdreg $0x9  }
0xb0: {  	_ =	task.clear_ibuf [dreg:s6], $0x4FFFF;
	_ =	strace $0x90000046  }
0xb1: {  	s29 =	simm.s32 $0x9;
	_ =	strace $0x80000048  }
0xb2: {  	_ =	swait.ge [sflag:s29], $0x1  }
0xb3: {  	[sflag:s29] =	ssyncadd.s32 $0xFFFFFFFF  }
0xb4: {  	_ =	strace $0x90000048  }
0xb5: {  	_ =	sfence  }
0xb6: {  	s30 =	sld [smem:$0x0];
	_ =	sdelay $0x2  }
0xb7: {  	s31 =	sshll.u32 s1, $0xD;
	s1 =	sshrl.u32 s1, $0x2  }
0xb8: {  	s3 =	sand.u32 $0x4000, s31;
	s1 =	sadd.s32 s1, s30  }
0xb9: {  	s0 =	sor.u32 s3, s0;
	s1 =	sshll.u32 s1, $0x11  }
0xba: {  	s0 =	sor.u32 s1, s0  }
0xbb: {  	s0 =	sadd.s32 $0x8F2B, s0  }
0xbc: {  	[sflag:s0] =	ssyncadd.remote.s32 $0x1  }
0xbd: {  	_ =	sfence.sel $0xFFFF  }
0xbe: {  	[dreg:$0x0] =	wrdreg $0xFFFFFFFF;
	(pc) =	sbr.abs _section_cstart, $3  }
0xbf: {  	[dreg:$0x1] =	wrdreg $0xFFFFFFFF  }
0xc0: {  	_ =	task.clear_ibuf [dreg:s6], $0x2FFFF;
	_ =	strace $0x9FFFFFFF  }
0xc1: {  	(tm) =	ssettm $0x7FFFFFFF  }
tec
execute0_lowered:
.L_overlay_start_1:
0x0: {  	(tag) =	ssettag $0x1  }
0x1: {  	s5 =	rddreg [dreg:$0x0];
	s2 =	srdreg.scid  }
0x2: {  	s0 =	rddreg [dreg:$0x1];
	s1 =	stileid.u32;
	s21 =	sand.u32 $0x1, s2  }
0x3: {  	s2 =	simm.s32 $0x0;
	s3 =	sshll.u32 s1, $0x10;
	s4 =	sshll.u32 s21, $0xF  }
0x4: {  	s19 =	sadd.s32 $0x400, s5;
	[smem:$0x7FF] =	sst s2;
	s20 =	sor.u32 s4, s3  }
0x5: {  	_ =	strace $0x80000047;
	s4 =	simm.s32 $0x1;
	s3 =	sadd.s32 s19, s20  }
0x6: {  	[tilespmem:s2], [sflag:$0x1] =	stream.linear.gather [hbm4b:s3+s2], $0x8000, $0x38;
	[tilespmem:$0x10000] =	vst v63  }
0x7: {  	_ =	swait.ge [sflag:s4], $0x8000  }
0x8: {  	s6 =	simm.s32 $0x8000;
	s10 =	sor.u32 $0x1000, s20;
	[sflag:s4] =	ssyncset.done $0x0  }
0x9: {  	s22 =	sadd.s32 $0x100400, s5;
	s5 =	sadd.s32 s19, s10;
	[sflag:s4] =	ssyncadd.s32 $0xFFFF8000  }
0xa: {  	[tilespmem:s6], [sflag:$0x2] =	stream.linear.gather [hbm4b:s5+s2], $0x8000, $0x38;
	[tilespmem:$0x10000] =	vst v63  }
0xb: {  	s7 =	sadd.s32 s22, s20  }
0xc: {  	[hbm4b:s7+s2] =	stream.linear.scatter [tilespmem:s2], [sflag:$0x1], $0x8000, $0x38;
	[tilespmem:$0x10000] =	vst v63  }
0xd: {  	_ =	swait.ge [sflag:s4], $0x8000  }
0xe: {  	[sflag:s4] =	ssyncset.done $0x0  }
0xf: {  	s8 =	simm.s32 $0x2;
	[sflag:s4] =	ssyncadd.s32 $0xFFFF8000  }
0x10: {  	_ =	swait.ge [sflag:s8], $0x8000  }
0x11: {  	s12 =	sor.u32 $0x2000, s20;
	[sflag:s8] =	ssyncset.done $0x0  }
0x12: {  	s9 =	sadd.s32 s19, s12;
	[sflag:s8] =	ssyncadd.s32 $0xFFFF8000  }
0x13: {  	[tilespmem:s2], [sflag:$0x1] =	stream.linear.gather [hbm4b:s9+s2], $0x8000, $0x38;
	[tilespmem:$0x10000] =	vst v63  }
0x14: {  	s10 =	sadd.s32 s22, s10  }
0x15: {  	[hbm4b:s10+s2] =	stream.linear.scatter [tilespmem:s6], [sflag:$0x2], $0x8000, $0x38;
	[tilespmem:$0x10000] =	vst v63  }
0x16: {  	_ =	swait.ge [sflag:s8], $0x8000  }
0x17: {  	[sflag:s8] =	ssyncset.done $0x0  }
0x18: {  	[sflag:s8] =	ssyncadd.s32 $0xFFFF8000  }
0x19: {  	_ =	swait.ge [sflag:s4], $0x8000  }
0x1a: {  	s14 =	sor.u32 $0x3000, s20;
	[sflag:s4] =	ssyncset.done $0x0  }
0x1b: {  	s11 =	sadd.s32 s19, s14;
	[sflag:s4] =	ssyncadd.s32 $0xFFFF8000  }
0x1c: {  	[tilespmem:s6], [sflag:$0x2] =	stream.linear.gather [hbm4b:s11+s2], $0x8000, $0x38;
	[tilespmem:$0x10000] =	vst v63  }
0x1d: {  	s12 =	sadd.s32 s22, s12  }
0x1e: {  	[hbm4b:s12+s2] =	stream.linear.scatter [tilespmem:s2], [sflag:$0x1], $0x8000, $0x38;
	[tilespmem:$0x10000] =	vst v63  }
0x1f: {  	_ =	swait.ge [sflag:s4], $0x8000  }
0x20: {  	[sflag:s4] =	ssyncset.done $0x0  }
0x21: {  	[sflag:s4] =	ssyncadd.s32 $0xFFFF8000  }
0x22: {  	_ =	swait.ge [sflag:s8], $0x8000  }
0x23: {  	s16 =	sor.u32 $0x4000, s20;
	[sflag:s8] =	ssyncset.done $0x0  }
0x24: {  	s13 =	sadd.s32 s19, s16;
	[sflag:s8] =	ssyncadd.s32 $0xFFFF8000  }
0x25: {  	[tilespmem:s2], [sflag:$0x1] =	stream.linear.gather [hbm4b:s13+s2], $0x8000, $0x38;
	[tilespmem:$0x10000] =	vst v63  }
0x26: {  	s14 =	sadd.s32 s22, s14  }
0x27: {  	[hbm4b:s14+s2] =	stream.linear.scatter [tilespmem:s6], [sflag:$0x2], $0x8000, $0x38;
	[tilespmem:$0x10000] =	vst v63  }
0x28: {  	_ =	swait.ge [sflag:s8], $0x8000  }
0x29: {  	[sflag:s8] =	ssyncset.done $0x0  }
0x2a: {  	[sflag:s8] =	ssyncadd.s32 $0xFFFF8000  }
0x2b: {  	_ =	swait.ge [sflag:s4], $0x8000  }
0x2c: {  	s18 =	sor.u32 $0x5000, s20;
	[sflag:s4] =	ssyncset.done $0x0  }
0x2d: {  	s15 =	sadd.s32 s19, s18;
	[sflag:s4] =	ssyncadd.s32 $0xFFFF8000  }
0x2e: {  	[tilespmem:s6], [sflag:$0x2] =	stream.linear.gather [hbm4b:s15+s2], $0x8000, $0x38;
	[tilespmem:$0x10000] =	vst v63  }
0x2f: {  	s16 =	sadd.s32 s22, s16  }
0x30: {  	[hbm4b:s16+s2] =	stream.linear.scatter [tilespmem:s2], [sflag:$0x1], $0x8000, $0x38;
	[tilespmem:$0x10000] =	vst v63  }
0x31: {  	_ =	swait.ge [sflag:s4], $0x8000  }
0x32: {  	[sflag:s4] =	ssyncset.done $0x0  }
0x33: {  	[sflag:s4] =	ssyncadd.s32 $0xFFFF8000  }
0x34: {  	_ =	swait.ge [sflag:s8], $0x8000  }
0x35: {  	s23 =	sor.u32 $0x6000, s20;
	[sflag:s8] =	ssyncset.done $0x0  }
0x36: {  	s17 =	sadd.s32 s19, s23;
	[sflag:s8] =	ssyncadd.s32 $0xFFFF8000  }
0x37: {  	[tilespmem:s2], [sflag:$0x1] =	stream.linear.gather [hbm4b:s17+s2], $0x8000, $0x38;
	[tilespmem:$0x10000] =	vst v63  }
0x38: {  	s18 =	sadd.s32 s22, s18  }
0x39: {  	[hbm4b:s18+s2] =	stream.linear.scatter [tilespmem:s6], [sflag:$0x2], $0x8000, $0x38;
	[tilespmem:$0x10000] =	vst v63  }
0x3a: {  	_ =	swait.ge [sflag:s8], $0x8000  }
0x3b: {  	[sflag:s8] =	ssyncset.done $0x0  }
0x3c: {  	[sflag:s8] =	ssyncadd.s32 $0xFFFF8000  }
0x3d: {  	_ =	swait.ge [sflag:s4], $0x8000  }
0x3e: {  	s24 =	sor.u32 $0x7000, s20;
	[sflag:s4] =	ssyncset.done $0x0  }
0x3f: {  	s19 =	sadd.s32 s19, s24;
	[sflag:s4] =	ssyncadd.s32 $0xFFFF8000  }
0x40: {  	[tilespmem:s6], [sflag:$0x2] =	stream.linear.gather [hbm4b:s19+s2], $0x8000, $0x38;
	[tilespmem:$0x10000] =	vst v63  }
0x41: {  	s21 =	ssub.s32 $0x2, s21;
	s20 =	sadd.s32 s22, s23  }
0x42: {  	[hbm4b:s20+s2] =	stream.linear.scatter [tilespmem:s2], [sflag:$0x1], $0x8000, $0x38;
	[tilespmem:$0x10000] =	vst v63  }
0x43: {  	s30 =	sshrl.u32 s21, $0x1;
	_ =	swait.ge [sflag:s4], $0x8000  }
0x44: {  	s23 =	ssub.s32 s21, s30;
	[sflag:s4] =	ssyncset.done $0x0  }
0x45: {  	s31 =	smax.u32 s23, $0x1;
	[sflag:s4] =	ssyncadd.s32 $0xFFFF8000  }
0x46: {  	p0 =	sne.s32 s31, $0x1;
	_ =	swait.ge [sflag:s8], $0x8000  }
.Ltmp0:
0x47: {  	[sflag:s8] =	ssyncset.done $0x0;
	(pc) =	sbr.rel @!p0 .LBB2_2-.Ltmp0, $4  }
0x48: {  	s21 =	sadd.s32 s22, s24;
	[sflag:s8] =	ssyncadd.s32 $0xFFFF8000  }
0x49: {  	[hbm4b:s21+s2] =	stream.linear.scatter [tilespmem:s6], [sflag:$0x2], $0x8000, $0x38;
	[tilespmem:$0x10000] =	vst v63  }
0x4a: {  	_ =	swait.ge [sflag:s8], $0x8000  }
0x4b: {  	s22 =	sadd.s32 $0xFFFFFFFF, s31;
	[sflag:s8] =	ssyncset.done $0x0  }
.LBB2_1:
0x4c: {  	p0 =	sne.s32 s22, $0x1;
	s22 =	sadd.s32 $0xFFFFFFFF, s22;
	[sflag:s8] =	ssyncadd.s32 $0xFFFF8000  }
0x4d: {  	[tilespmem:s2], [sflag:$0x1] =	stream.linear.gather [hbm4b:s3+s2], $0x8000, $0x38;
	[tilespmem:$0x10000] =	vst v63  }
0x4e: {  	_ =	swait.ge [sflag:s4], $0x8000  }
0x4f: {  	[sflag:s4] =	ssyncset.done $0x0  }
0x50: {  	[sflag:s4] =	ssyncadd.s32 $0xFFFF8000  }
0x51: {  	[tilespmem:s6], [sflag:$0x2] =	stream.linear.gather [hbm4b:s5+s2], $0x8000, $0x38;
	[tilespmem:$0x10000] =	vst v63  }
0x52: {  	_ = 	snop  }
0x53: {  	[hbm4b:s7+s2] =	stream.linear.scatter [tilespmem:s2], [sflag:$0x1], $0x8000, $0x38;
	[tilespmem:$0x10000] =	vst v63  }
0x54: {  	_ =	swait.ge [sflag:s4], $0x8000  }
0x55: {  	[sflag:s4] =	ssyncset.done $0x0  }
0x56: {  	[sflag:s4] =	ssyncadd.s32 $0xFFFF8000  }
0x57: {  	_ =	swait.ge [sflag:s8], $0x8000  }
0x58: {  	[sflag:s8] =	ssyncset.done $0x0  }
0x59: {  	[sflag:s8] =	ssyncadd.s32 $0xFFFF8000  }
0x5a: {  	[tilespmem:s2], [sflag:$0x1] =	stream.linear.gather [hbm4b:s9+s2], $0x8000, $0x38;
	[tilespmem:$0x10000] =	vst v63  }
0x5b: {  	_ = 	snop  }
0x5c: {  	[hbm4b:s10+s2] =	stream.linear.scatter [tilespmem:s6], [sflag:$0x2], $0x8000, $0x38;
	[tilespmem:$0x10000] =	vst v63  }
0x5d: {  	_ =	swait.ge [sflag:s8], $0x8000  }
0x5e: {  	[sflag:s8] =	ssyncset.done $0x0  }
0x5f: {  	[sflag:s8] =	ssyncadd.s32 $0xFFFF8000  }
0x60: {  	_ =	swait.ge [sflag:s4], $0x8000  }
0x61: {  	[sflag:s4] =	ssyncset.done $0x0  }
0x62: {  	[sflag:s4] =	ssyncadd.s32 $0xFFFF8000  }
0x63: {  	[tilespmem:s6], [sflag:$0x2] =	stream.linear.gather [hbm4b:s11+s2], $0x8000, $0x38;
	[tilespmem:$0x10000] =	vst v63  }
0x64: {  	_ = 	snop  }
0x65: {  	[hbm4b:s12+s2] =	stream.linear.scatter [tilespmem:s2], [sflag:$0x1], $0x8000, $0x38;
	[tilespmem:$0x10000] =	vst v63  }
0x66: {  	_ =	swait.ge [sflag:s4], $0x8000  }
0x67: {  	[sflag:s4] =	ssyncset.done $0x0  }
0x68: {  	[sflag:s4] =	ssyncadd.s32 $0xFFFF8000  }
0x69: {  	_ =	swait.ge [sflag:s8], $0x8000  }
0x6a: {  	[sflag:s8] =	ssyncset.done $0x0  }
0x6b: {  	[sflag:s8] =	ssyncadd.s32 $0xFFFF8000  }
0x6c: {  	[tilespmem:s2], [sflag:$0x1] =	stream.linear.gather [hbm4b:s13+s2], $0x8000, $0x38;
	[tilespmem:$0x10000] =	vst v63  }
0x6d: {  	_ = 	snop  }
0x6e: {  	[hbm4b:s14+s2] =	stream.linear.scatter [tilespmem:s6], [sflag:$0x2], $0x8000, $0x38;
	[tilespmem:$0x10000] =	vst v63  }
0x6f: {  	_ =	swait.ge [sflag:s8], $0x8000  }
0x70: {  	[sflag:s8] =	ssyncset.done $0x0  }
0x71: {  	[sflag:s8] =	ssyncadd.s32 $0xFFFF8000  }
0x72: {  	_ =	swait.ge [sflag:s4], $0x8000  }
0x73: {  	[sflag:s4] =	ssyncset.done $0x0  }
0x74: {  	[sflag:s4] =	ssyncadd.s32 $0xFFFF8000  }
0x75: {  	[tilespmem:s6], [sflag:$0x2] =	stream.linear.gather [hbm4b:s15+s2], $0x8000, $0x38;
	[tilespmem:$0x10000] =	vst v63  }
0x76: {  	_ = 	snop  }
0x77: {  	[hbm4b:s16+s2] =	stream.linear.scatter [tilespmem:s2], [sflag:$0x1], $0x8000, $0x38;
	[tilespmem:$0x10000] =	vst v63  }
0x78: {  	_ =	swait.ge [sflag:s4], $0x8000  }
0x79: {  	[sflag:s4] =	ssyncset.done $0x0  }
0x7a: {  	[sflag:s4] =	ssyncadd.s32 $0xFFFF8000  }
0x7b: {  	_ =	swait.ge [sflag:s8], $0x8000  }
0x7c: {  	[sflag:s8] =	ssyncset.done $0x0  }
0x7d: {  	[sflag:s8] =	ssyncadd.s32 $0xFFFF8000  }
0x7e: {  	[tilespmem:s2], [sflag:$0x1] =	stream.linear.gather [hbm4b:s17+s2], $0x8000, $0x38;
	[tilespmem:$0x10000] =	vst v63  }
0x7f: {  	_ = 	snop  }
0x80: {  	[hbm4b:s18+s2] =	stream.linear.scatter [tilespmem:s6], [sflag:$0x2], $0x8000, $0x38;
	[tilespmem:$0x10000] =	vst v63  }
0x81: {  	_ =	swait.ge [sflag:s8], $0x8000  }
0x82: {  	[sflag:s8] =	ssyncset.done $0x0  }
0x83: {  	[sflag:s8] =	ssyncadd.s32 $0xFFFF8000  }
0x84: {  	_ =	swait.ge [sflag:s4], $0x8000  }
0x85: {  	[sflag:s4] =	ssyncset.done $0x0  }
0x86: {  	[sflag:s4] =	ssyncadd.s32 $0xFFFF8000  }
0x87: {  	[tilespmem:s6], [sflag:$0x2] =	stream.linear.gather [hbm4b:s19+s2], $0x8000, $0x38;
	[tilespmem:$0x10000] =	vst v63  }
0x88: {  	_ = 	snop  }
0x89: {  	[hbm4b:s20+s2] =	stream.linear.scatter [tilespmem:s2], [sflag:$0x1], $0x8000, $0x38;
	[tilespmem:$0x10000] =	vst v63  }
0x8a: {  	_ =	swait.ge [sflag:s4], $0x8000  }
0x8b: {  	[sflag:s4] =	ssyncset.done $0x0  }
0x8c: {  	[sflag:s4] =	ssyncadd.s32 $0xFFFF8000  }
0x8d: {  	_ =	swait.ge [sflag:s8], $0x8000  }
.Ltmp1:
0x8e: {  	[sflag:s8] =	ssyncset.done $0x0;
	(pc) =	sbr.rel @p0 .LBB2_1-.Ltmp1, $4  }
0x8f: {  	[sflag:s8] =	ssyncadd.s32 $0xFFFF8000  }
0x90: {  	[hbm4b:s21+s2] =	stream.linear.scatter [tilespmem:s6], [sflag:$0x2], $0x8000, $0x38;
	[tilespmem:$0x10000] =	vst v63  }
0x91: {  	_ =	swait.ge [sflag:s8], $0x8000  }
0x92: {  	[sflag:s8] =	ssyncset.done $0x0  }
.LBB2_2:
0x93: {  	[sflag:s8] =	ssyncadd.s32 $0xFFFF8000  }
0x94: {  	_ =	sfence.sel $0x180000  }
0x95: {  	[bflag:$0x0] =	sbarrier.arrive $0xFFFF  }
0x96: {  	p0 =	sne.s32 s1, $0x0;
	_ =	strace $0x90000047  }
0x97: {  	s0 =	sadd.s32 @!p0 $0x100000, s0;
	[bflag:$0x2] =	sbarrier.arrive $0xFFFF  }
0x98: {  	[sflag:s0] =	ssyncadd.tile.s32 @!p0 $0x1;
	_ =	shalt  }
.Lfunc_end2:
_tile_overlayer_lowered:
.L_overlay_start_2:
0x99: {  	(tag) =	ssettag $0x2  }
0x9a: {  	s0 =	rddreg [dreg:$0x0];
	s2 =	stileid.u32  }
0x9b: {  	s1 =	rddreg [dreg:$0x1];
	p0 =	sne.s32 s2, $0x0  }
0x9c: {  	s3 =	rddreg [dreg:$0x2];
	[bflag:$0x3] =	sbarrier.arrive $0xFFFF;
	s2 =	simm.s32 @!p0 $0x1C03  }
0x9d: {  	[timem:s3], [sflag:s2] =	dma.local @!p0 [hbm:s0], s1  }
0x9e: {  	s0 =	simm.s32 @!p0 $0x3  }
0x9f: {  	_ =	swait.ge @!p0 [sflag:s0], s1  }
0xa0: {  	s1 =	ssub.s32 @!p0 $0x0, s1;
	[sflag:s0] =	ssyncset.done @!p0 $0x0  }
0xa1: {  	[sflag:s0] =	ssyncadd.s32 @!p0 s1  }
0xa2: {  	[bflag:$0x3] =	sbarrier.arrive $0xFFFF  }
0xa3: {  	_ =	shalt  }

</sc_bundles>
